<compile_context>
chip_gen: v7x
topology: tpu7x:2x2x1
jax: 0.10.2.dev20260603
libtpu: 0.0.44.dev20260713+nightly
codegen_flags: <defaults>
</compile_context>

<pallas_src>
import functools

import jax
import jax.numpy as jnp
from jax import lax
from jax.experimental import pallas as pl
from jax.experimental.pallas import tpu as pltpu
from jax.experimental.pallas import tpu_sc as plsc

K_TOK = 8192
K_CODE = 8192
E = 256
MB = 2048
NB = 2048
GM = K_TOK // MB
GN = K_CODE // NB
N_ELEMS = K_TOK * E


def _dist_body(z_ref, w_ref, zsq_ref, wsq_ref, idx_ref, loss_ref,
               rmin_ref, ridx_ref, sel_ref):
    m = pl.program_id(0)
    n = pl.program_id(1)
    zb = z_ref[...]
    wb = w_ref[...]
    a = zsq_ref[...]
    b = wsq_ref[...]
    mm2 = lax.dot_general(zb, wb, (((1,), (1,)), ((), ())),
                          preferred_element_type=jnp.float32)
    d = (a + b) - mm2
    bmin = jnp.min(d, axis=1, keepdims=True)
    col = lax.broadcasted_iota(jnp.int32, (1, NB), 1).astype(jnp.float32)
    bidx = jnp.min(jnp.where(d == bmin, col, jnp.float32(jnp.inf)),
                   axis=1, keepdims=True).astype(jnp.int32)

    @pl.when(n == 0)
    def _init():
        rmin_ref[...] = bmin.astype(jnp.bfloat16).astype(jnp.float32)
        ridx_ref[...] = bidx
        sel_ref[...] = bmin

    @pl.when(n > 0)
    def _update():
        prev = rmin_ref[...]
        better = bmin < prev
        rmin_ref[...] = (jnp.where(better, bmin, prev)
                         .astype(jnp.bfloat16).astype(jnp.float32))
        ridx_ref[...] = jnp.where(better, bidx + n * NB, ridx_ref[...])
        sel_ref[...] = jnp.where(better, bmin, sel_ref[...])

    @pl.when(n == GN - 1)
    def _finish():
        idx_ref[...] = ridx_ref[...].reshape(MB)
        s = jnp.sum(sel_ref[...])

        @pl.when(m == 0)
        def _():
            loss_ref[0] = s

        @pl.when(m > 0)
        def _():
            loss_ref[0] += s


def _distance_argmin(z_flat, W, zsq, wsq):
    return pl.pallas_call(
        _dist_body,
        grid=(GM, GN),
        in_specs=[
            pl.BlockSpec((MB, E), lambda m, n: (m, 0)),
            pl.BlockSpec((NB, E), lambda m, n: (n, 0)),
            pl.BlockSpec((MB, 1), lambda m, n: (m, 0)),
            pl.BlockSpec((1, NB), lambda m, n: (0, n)),
        ],
        out_specs=[
            pl.BlockSpec((MB,), lambda m, n: (m,)),
            pl.BlockSpec(memory_space=pltpu.SMEM, block_shape=(1,),
                         index_map=lambda m, n: (0,)),
        ],
        out_shape=[
            jax.ShapeDtypeStruct((K_TOK,), jnp.int32),
            jax.ShapeDtypeStruct((1,), jnp.float32),
        ],
        scratch_shapes=[
            pltpu.VMEM((MB, 1), jnp.float32),
            pltpu.VMEM((MB, 1), jnp.int32),
            pltpu.VMEM((MB, 1), jnp.float32),
        ],
    )(z_flat, W, zsq, wsq)


def _sc_gather(table, idx):
    try:
        info = plsc.get_sparse_core_info()
        nc, ns = info.num_cores, info.num_subcores
    except Exception:
        nc, ns = 2, 16
    nw = nc * ns
    b_per_w = K_TOK // nw
    ch = 128
    n_ch = b_per_w // ch
    mesh = plsc.VectorSubcoreMesh(core_axis_name="c", subcore_axis_name="s")

    @functools.partial(
        pl.kernel, mesh=mesh,
        out_type=jax.ShapeDtypeStruct((K_TOK, E), jnp.float32),
        scratch_types=[
            pltpu.VMEM((ch,), jnp.int32),
            pltpu.VMEM((ch, E), jnp.float32),
            pltpu.SemaphoreType.DMA,
        ],
    )
    def _gather(table_hbm, idx_hbm, out_hbm, idx_v, rows_v, sem):
        wid = lax.axis_index("s") * nc + lax.axis_index("c")
        base = wid * b_per_w
        for j in range(n_ch):
            off = base + j * ch
            pltpu.sync_copy(idx_hbm.at[pl.ds(off, ch)], idx_v)
            pltpu.async_copy(table_hbm.at[idx_v], rows_v, sem).wait()
            pltpu.sync_copy(rows_v, out_hbm.at[pl.ds(off, ch)])

    return _gather(table, idx)


def kernel(z, W):
    zp = jnp.transpose(z, (0, 2, 3, 1))
    z_flat = zp.reshape(K_TOK, E)
    zsq = jnp.sum(zp ** 2, axis=3).reshape(K_TOK, 1)
    wsq = jnp.sum(W ** 2, axis=1).reshape(1, K_CODE)
    idx, loss_sum = _distance_argmin(z_flat * 2.0, W, zsq, wsq)
    table = W.astype(jnp.bfloat16).astype(jnp.float32)
    vq_rows = _sc_gather(table, idx)
    loss = loss_sum[0] * jnp.float32(1.25 / N_ELEMS)
    vq_tok = z_flat + (vq_rows - z_flat)
    vq_out = jnp.transpose(vq_tok.reshape(8, 32, 32, E), (0, 3, 1, 2))
    return (loss, vq_out)

# --- scband reference (transcript-rebuilt; emitter-appended) ---
"""Pipeline reference for scband-embedding-24343874634363 (READ-ONLY COPY).

The authoritative reference and input builder live on the scoring server;
editing this copy changes nothing except your own understanding.
"""

import jax, jax.numpy as jnp
import numpy as np

K_DIM = 8192
E_DIM = 256
BETA = 0.25

def setup_inputs(seed: int = 0):
    key = jax.random.key(seed)
    k1, k2 = jax.random.split(key)
    z = jax.random.normal(k1, (8, 256, 32, 32), dtype=jnp.float32)
    W = jax.random.uniform(k2, (K_DIM, E_DIM), dtype=jnp.float32, minval=-1.0 / K_DIM, maxval=1.0 / K_DIM)
    return {"z": z, "W": W}

def reference(z, W):
    # z: [B, C, H, W] -> [B, H, W, C]
    zp = jnp.transpose(z, (0, 2, 3, 1))
    z_flat = zp.reshape(-1, E_DIM)
    # squared L2 distances to every codebook entry
    distance = (jnp.sum(z_flat ** 2, axis=1, keepdims=True)
                + jnp.sum(W ** 2, axis=1)
                - 2.0 * jnp.matmul(z_flat, W.T))
    min_enc_idx = jnp.argmin(distance, axis=1)
    # one-hot encodings (scatter of 1s), then matmul to gather codes
    min_enc = jax.nn.one_hot(min_enc_idx, K_DIM, dtype=z_flat.dtype)
    vq_z = jnp.matmul(min_enc, W).reshape(zp.shape)
    # commitment + codebook loss (MSELoss = mean over all elements)
    loss = (jnp.mean((jax.lax.stop_gradient(vq_z) - zp) ** 2)
            + BETA * jnp.mean((vq_z - jax.lax.stop_gradient(zp)) ** 2))
    # straight-through estimator
    vq_out = zp + jax.lax.stop_gradient(vq_z - zp)
    vq_out = jnp.transpose(vq_out, (0, 3, 1, 2))
    return (loss, vq_out)

if __name__ == "__main__":
    import jax
    _d = setup_inputs()
    print(jax.jit(kernel)(*tuple(_d.values())))

</pallas_src>

<mosaic_0001>
#map = affine_map<(d0, d1) -> (0, 0)>
#map1 = affine_map<(d0, d1) -> (0)>
module attributes {stable_mosaic.version = 14 : i64} {
  func.func @_gather(%arg0: i32, %arg1: i32, %arg2: memref<8192x256xf32, #tpu.memory_space<hbm>>, %arg3: memref<8192xi32, #tpu.memory_space<hbm>>, %arg4: memref<8192x256xf32, #tpu.memory_space<hbm>>, %arg5: memref<128xi32, #tpu.memory_space<vmem>>, %arg6: memref<128x256xf32, #tpu.memory_space<vmem>>, %arg7: memref<!tpu.dma_semaphore, #tpu.memory_space<semaphore_mem>>) attributes {dimension_semantics = [#tpu.dimension_semantics<core_parallel>, #tpu.dimension_semantics<subcore_parallel>], iteration_bounds = array<i64: 2, 16>, scalar_prefetch = 0 : i64, scratch_operands = 3 : i64, tpu.core_type = #tpu.core_type<sc_vector_subcore>, window_params = [{transform_indices = #map}, {transform_indices = #map1}, {transform_indices = #map}]} {
    %mul3A = arith.constant 2 : i32
    %mul3A_0 = arith.muli %arg1, %mul3A : i32
    %add3A = arith.addi %mul3A_0, %arg0 : i32
    %mul3A_1 = arith.constant 256 : i32
    %mul3A_2 = arith.muli %add3A, %mul3A_1 : i32
    %add3A_3 = arith.constant 0 : i32
    %add3A_4 = arith.addi %mul3A_2, %add3A_3 : i32
    "tpu.region"() ({
      %run_scoped3A = tpu.sem_alloc : memref<!tpu.dma_semaphore, #tpu.memory_space<semaphore_mem>>
      %dma_start3A_17 = tpu.memref_slice %arg3[%add3A_4] : memref<8192xi32, #tpu.memory_space<hbm>> -> memref<128xi32, #tpu.memory_space<hbm>>
      %dma_start3A_18 = tpu.memref_slice %arg3[%add3A_4] : memref<8192xi32, #tpu.memory_space<hbm>> -> memref<128xi32, #tpu.memory_space<hbm>>
      tpu.enqueue_dma source(%dma_start3A_18 : memref<128xi32, #tpu.memory_space<hbm>>) target(%arg5 : memref<128xi32, #tpu.memory_space<vmem>>) target_semaphore(%run_scoped3A : memref<!tpu.dma_semaphore, #tpu.memory_space<semaphore_mem>>)
      %dma_wait3A_19 = tpu.memref_slice %arg3[%add3A_4] : memref<8192xi32, #tpu.memory_space<hbm>> -> memref<128xi32, #tpu.memory_space<hbm>>
      %dma_wait3A_20 = tpu.memref_slice %arg3[%add3A_4] : memref<8192xi32, #tpu.memory_space<hbm>> -> memref<128xi32, #tpu.memory_space<hbm>>
      tpu.wait_dma2 semaphore(%run_scoped3A : memref<!tpu.dma_semaphore, #tpu.memory_space<semaphore_mem>>) src(%dma_wait3A_20 : memref<128xi32, #tpu.memory_space<hbm>>) dst(%arg5 : memref<128xi32, #tpu.memory_space<vmem>>)
      tpu.yield
    }) : () -> ()
    %dma_start3A = arith.constant 0 : i32
    %dma_start3A_5 = arith.constant 0 : i32
    %dma_start3A_6 = tpu.memref_slice %arg2[%dma_start3A, %dma_start3A_5] : memref<8192x256xf32, #tpu.memory_space<hbm>> -> memref<8192x256xf32, #tpu.memory_space<hbm>>
    tpu.enqueue_indirect_dma source(%dma_start3A_6 : memref<8192x256xf32, #tpu.memory_space<hbm>>) target(%arg6 : memref<128x256xf32, #tpu.memory_space<vmem>>) offsets(%arg5 : memref<128xi32, #tpu.memory_space<vmem>>) semaphore(%arg7 : memref<!tpu.dma_semaphore, #tpu.memory_space<semaphore_mem>>)
    %dma_wait3A = arith.constant 0 : i32
    %dma_wait3A_7 = arith.constant 0 : i32
    %dma_wait3A_8 = tpu.memref_slice %arg2[%dma_wait3A, %dma_wait3A_7] : memref<8192x256xf32, #tpu.memory_space<hbm>> -> memref<8192x256xf32, #tpu.memory_space<hbm>>
    tpu.wait_indirect_dma semaphore(%arg7 : memref<!tpu.dma_semaphore, #tpu.memory_space<semaphore_mem>>) src(%dma_wait3A_8 : memref<8192x256xf32, #tpu.memory_space<hbm>>) dst(%arg6 : memref<128x256xf32, #tpu.memory_space<vmem>>)
    "tpu.region"() ({
      %run_scoped3A = tpu.sem_alloc : memref<!tpu.dma_semaphore, #tpu.memory_space<semaphore_mem>>
      %dma_start3A_17 = arith.constant 0 : i32
      %dma_start3A_18 = tpu.memref_slice %arg4[%add3A_4, %dma_start3A_17] : memref<8192x256xf32, #tpu.memory_space<hbm>> -> memref<128x256xf32, #tpu.memory_space<hbm>>
      %dma_start3A_19 = arith.constant 0 : i32
      %dma_start3A_20 = tpu.memref_slice %arg4[%add3A_4, %dma_start3A_19] : memref<8192x256xf32, #tpu.memory_space<hbm>> -> memref<128x256xf32, #tpu.memory_space<hbm>>
      tpu.enqueue_dma source(%arg6 : memref<128x256xf32, #tpu.memory_space<vmem>>) target(%dma_start3A_20 : memref<128x256xf32, #tpu.memory_space<hbm>>) target_semaphore(%run_scoped3A : memref<!tpu.dma_semaphore, #tpu.memory_space<semaphore_mem>>)
      %dma_wait3A_21 = arith.constant 0 : i32
      %dma_wait3A_22 = tpu.memref_slice %arg4[%add3A_4, %dma_wait3A_21] : memref<8192x256xf32, #tpu.memory_space<hbm>> -> memref<128x256xf32, #tpu.memory_space<hbm>>
      %dma_wait3A_23 = arith.constant 0 : i32
      %dma_wait3A_24 = tpu.memref_slice %arg4[%add3A_4, %dma_wait3A_23] : memref<8192x256xf32, #tpu.memory_space<hbm>> -> memref<128x256xf32, #tpu.memory_space<hbm>>
      tpu.wait_dma2 semaphore(%run_scoped3A : memref<!tpu.dma_semaphore, #tpu.memory_space<semaphore_mem>>) src(%arg6 : memref<128x256xf32, #tpu.memory_space<vmem>>) dst(%dma_wait3A_24 : memref<128x256xf32, #tpu.memory_space<hbm>>)
      tpu.yield
    }) : () -> ()
    %add3A_9 = arith.constant 128 : i32
    %add3A_10 = arith.addi %mul3A_2, %add3A_9 : i32
    "tpu.region"() ({
      %run_scoped3A = tpu.sem_alloc : memref<!tpu.dma_semaphore, #tpu.memory_space<semaphore_mem>>
      %dma_start3A_17 = tpu.memref_slice %arg3[%add3A_10] : memref<8192xi32, #tpu.memory_space<hbm>> -> memref<128xi32, #tpu.memory_space<hbm>>
      %dma_start3A_18 = tpu.memref_slice %arg3[%add3A_10] : memref<8192xi32, #tpu.memory_space<hbm>> -> memref<128xi32, #tpu.memory_space<hbm>>
      tpu.enqueue_dma source(%dma_start3A_18 : memref<128xi32, #tpu.memory_space<hbm>>) target(%arg5 : memref<128xi32, #tpu.memory_space<vmem>>) target_semaphore(%run_scoped3A : memref<!tpu.dma_semaphore, #tpu.memory_space<semaphore_mem>>)
      %dma_wait3A_19 = tpu.memref_slice %arg3[%add3A_10] : memref<8192xi32, #tpu.memory_space<hbm>> -> memref<128xi32, #tpu.memory_space<hbm>>
      %dma_wait3A_20 = tpu.memref_slice %arg3[%add3A_10] : memref<8192xi32, #tpu.memory_space<hbm>> -> memref<128xi32, #tpu.memory_space<hbm>>
      tpu.wait_dma2 semaphore(%run_scoped3A : memref<!tpu.dma_semaphore, #tpu.memory_space<semaphore_mem>>) src(%dma_wait3A_20 : memref<128xi32, #tpu.memory_space<hbm>>) dst(%arg5 : memref<128xi32, #tpu.memory_space<vmem>>)
      tpu.yield
    }) : () -> ()
    %dma_start3A_11 = arith.constant 0 : i32
    %dma_start3A_12 = arith.constant 0 : i32
    %dma_start3A_13 = tpu.memref_slice %arg2[%dma_start3A_11, %dma_start3A_12] : memref<8192x256xf32, #tpu.memory_space<hbm>> -> memref<8192x256xf32, #tpu.memory_space<hbm>>
    tpu.enqueue_indirect_dma source(%dma_start3A_13 : memref<8192x256xf32, #tpu.memory_space<hbm>>) target(%arg6 : memref<128x256xf32, #tpu.memory_space<vmem>>) offsets(%arg5 : memref<128xi32, #tpu.memory_space<vmem>>) semaphore(%arg7 : memref<!tpu.dma_semaphore, #tpu.memory_space<semaphore_mem>>)
    %dma_wait3A_14 = arith.constant 0 : i32
    %dma_wait3A_15 = arith.constant 0 : i32
    %dma_wait3A_16 = tpu.memref_slice %arg2[%dma_wait3A_14, %dma_wait3A_15] : memref<8192x256xf32, #tpu.memory_space<hbm>> -> memref<8192x256xf32, #tpu.memory_space<hbm>>
    tpu.wait_indirect_dma semaphore(%arg7 : memref<!tpu.dma_semaphore, #tpu.memory_space<semaphore_mem>>) src(%dma_wait3A_16 : memref<8192x256xf32, #tpu.memory_space<hbm>>) dst(%arg6 : memref<128x256xf32, #tpu.memory_space<vmem>>)
    "tpu.region"() ({
      %run_scoped3A = tpu.sem_alloc : memref<!tpu.dma_semaphore, #tpu.memory_space<semaphore_mem>>
      %dma_start3A_17 = arith.constant 0 : i32
      %dma_start3A_18 = tpu.memref_slice %arg4[%add3A_10, %dma_start3A_17] : memref<8192x256xf32, #tpu.memory_space<hbm>> -> memref<128x256xf32, #tpu.memory_space<hbm>>
      %dma_start3A_19 = arith.constant 0 : i32
      %dma_start3A_20 = tpu.memref_slice %arg4[%add3A_10, %dma_start3A_19] : memref<8192x256xf32, #tpu.memory_space<hbm>> -> memref<128x256xf32, #tpu.memory_space<hbm>>
      tpu.enqueue_dma source(%arg6 : memref<128x256xf32, #tpu.memory_space<vmem>>) target(%dma_start3A_20 : memref<128x256xf32, #tpu.memory_space<hbm>>) target_semaphore(%run_scoped3A : memref<!tpu.dma_semaphore, #tpu.memory_space<semaphore_mem>>)
      %dma_wait3A_21 = arith.constant 0 : i32
      %dma_wait3A_22 = tpu.memref_slice %arg4[%add3A_10, %dma_wait3A_21] : memref<8192x256xf32, #tpu.memory_space<hbm>> -> memref<128x256xf32, #tpu.memory_space<hbm>>
      %dma_wait3A_23 = arith.constant 0 : i32
      %dma_wait3A_24 = tpu.memref_slice %arg4[%add3A_10, %dma_wait3A_23] : memref<8192x256xf32, #tpu.memory_space<hbm>> -> memref<128x256xf32, #tpu.memory_space<hbm>>
      tpu.wait_dma2 semaphore(%run_scoped3A : memref<!tpu.dma_semaphore, #tpu.memory_space<semaphore_mem>>) src(%arg6 : memref<128x256xf32, #tpu.memory_space<vmem>>) dst(%dma_wait3A_24 : memref<128x256xf32, #tpu.memory_space<hbm>>)
      tpu.yield
    }) : () -> ()
    return
  }
}

module attributes {stable_mosaic.version = 14 : i64} {
  func.func @_dist_body(%arg0: i32, %arg1: i32, %arg2: memref<2048x256xf32, #tpu.memory_space<vmem>>, %arg3: memref<2048x256xf32, #tpu.memory_space<vmem>>, %arg4: memref<2048x1xf32, #tpu.memory_space<vmem>>, %arg5: memref<1x2048xf32, #tpu.memory_space<vmem>>, %arg6: memref<2048xi32, #tpu.memory_space<vmem>>, %arg7: memref<1xf32, #tpu.memory_space<smem>>, %arg8: memref<2048x1xf32, #tpu.memory_space<vmem>>, %arg9: memref<2048x1xi32, #tpu.memory_space<vmem>>, %arg10: memref<2048x1xf32, #tpu.memory_space<vmem>>) attributes {dimension_semantics = [#tpu.dimension_semantics<arbitrary>, #tpu.dimension_semantics<arbitrary>], iteration_bounds = array<i64: 4, 4>, scalar_prefetch = 0 : i64, scratch_operands = 3 : i64, tpu.core_type = #tpu.core_type<tc>, window_params = [{transform_indices = @transform_0, window_bounds = array<i64: 2048, 256>}, {transform_indices = @transform_1, window_bounds = array<i64: 2048, 256>}, {transform_indices = @transform_2, window_bounds = array<i64: 2048, 1>}, {transform_indices = @transform_3, window_bounds = array<i64: 1, 2048>}, {transform_indices = @transform_4, window_bounds = array<i64: 2048>}, {transform_indices = @transform_5, window_bounds = array<i64: 1>}]} {
    %get3A = arith.constant 0 : index
    %get3A_0 = arith.constant 0 : index
    %get3A_1 = vector.load %arg2[%get3A, %get3A_0] : memref<2048x256xf32, #tpu.memory_space<vmem>>, vector<2048x256xf32>
    %get3A_2 = arith.constant 0 : index
    %get3A_3 = arith.constant 0 : index
    %get3A_4 = vector.load %arg3[%get3A_2, %get3A_3] : memref<2048x256xf32, #tpu.memory_space<vmem>>, vector<2048x256xf32>
    %get3A_5 = arith.constant 0 : index
    %get3A_6 = arith.constant 0 : index
    %get3A_7 = vector.load %arg4[%get3A_5, %get3A_6] : memref<2048x1xf32, #tpu.memory_space<vmem>>, vector<2048x1xf32>
    %get3A_8 = arith.constant 0 : index
    %get3A_9 = arith.constant 0 : index
    %get3A_10 = vector.load %arg5[%get3A_8, %get3A_9] : memref<1x2048xf32, #tpu.memory_space<vmem>>, vector<1x2048xf32>
    %dot_general3A = arith.constant dense<0.000000e+00> : vector<2048x2048xf32>
    %dot_general3A_11 = tpu.matmul %get3A_1, %get3A_4, %dot_general3A {dimension_numbers = #tpu.dot_dimension_numbers<[1], [1], [0], [0], [0, 0, 1, 0], [], []>, transpose_lhs_hint = false} : vector<2048x256xf32>, vector<2048x256xf32>, vector<2048x2048xf32> -> vector<2048x2048xf32>
    %add3A = vector.broadcast %get3A_7 : vector<2048x1xf32> to vector<2048x2048xf32>
    %add3A_12 = vector.broadcast %get3A_10 : vector<1x2048xf32> to vector<2048x2048xf32>
    %add3A_13 = arith.addf %add3A, %add3A_12 : vector<2048x2048xf32>
    %sub3A = arith.subf %add3A_13, %dot_general3A_11 : vector<2048x2048xf32>
    %reduce_min3A = arith.constant dense<0x7F800000> : vector<2048xf32>
    %reduce_min3A_14 = vector.multi_reduction <minimumf>, %sub3A, %reduce_min3A [1] : vector<2048x2048xf32> to vector<2048xf32>
    %broadcast_in_dim3A = vector.shape_cast %reduce_min3A_14 : vector<2048xf32> to vector<2048x1xf32>
    %iota3A = tpu.iota {dimensions = array<i32: 1>} : vector<1x2048xi32>
    %convert_element_type3A = arith.sitofp %iota3A : vector<1x2048xi32> to vector<1x2048xf32>
    %eq3A = vector.broadcast %broadcast_in_dim3A : vector<2048x1xf32> to vector<2048x2048xf32>
    %eq3A_15 = arith.cmpf oeq, %sub3A, %eq3A : vector<2048x2048xf32>
    %jit3A = arith.constant 0x7F800000 : f32
    %broadcast_in_dim3A_16 = vector.shape_cast %convert_element_type3A : vector<1x2048xf32> to vector<1x2048xf32>
    %broadcast_in_dim3A_17 = vector.broadcast %broadcast_in_dim3A_16 : vector<1x2048xf32> to vector<2048x2048xf32>
    %broadcast_in_dim3A_18 = vector.broadcast %jit3A : f32 to vector<2048x2048xf32>
    %select_n3A = arith.select %eq3A_15, %broadcast_in_dim3A_17, %broadcast_in_dim3A_18 : vector<2048x2048xi1>, vector<2048x2048xf32>
    %reduce_min3A_19 = arith.constant dense<0x7F800000> : vector<2048xf32>
    %reduce_min3A_20 = vector.multi_reduction <minimumf>, %select_n3A, %reduce_min3A_19 [1] : vector<2048x2048xf32> to vector<2048xf32>
    %broadcast_in_dim3A_21 = vector.shape_cast %reduce_min3A_20 : vector<2048xf32> to vector<2048x1xf32>
    %convert_element_type3A_22 = arith.fptosi %broadcast_in_dim3A_21 : vector<2048x1xf32> to vector<2048x1xi32>
    %eq3A_23 = arith.constant 0 : i32
    %eq3A_24 = arith.cmpi eq, %arg1, %eq3A_23 : i32
    %convert_element_type3A_25 = arith.extui %eq3A_24 : i1 to i32
    %cond3A = arith.constant 0 : i32
    %cond3A_26 = arith.cmpi ne, %convert_element_type3A_25, %cond3A : i32
    scf.if %cond3A_26 {
      %convert_element_type3A_36 = arith.truncf %broadcast_in_dim3A : vector<2048x1xf32> to vector<2048x1xbf16>
      %convert_element_type3A_37 = arith.extf %convert_element_type3A_36 : vector<2048x1xbf16> to vector<2048x1xf32>
      %swap3A = arith.constant 0 : index
      %swap3A_38 = arith.constant 0 : index
      %swap3A_39 = vector.load %arg8[%swap3A, %swap3A_38] : memref<2048x1xf32, #tpu.memory_space<vmem>>, vector<2048x1xf32>
      tpu.vector_store %arg8[%swap3A, %swap3A_38], %convert_element_type3A_37 {strides = array<i32>} : memref<2048x1xf32, #tpu.memory_space<vmem>>, vector<2048x1xf32>,
      %swap3A_40 = arith.constant 0 : index
      %swap3A_41 = arith.constant 0 : index
      %swap3A_42 = vector.load %arg9[%swap3A_40, %swap3A_41] : memref<2048x1xi32, #tpu.memory_space<vmem>>, vector<2048x1xi32>
      tpu.vector_store %arg9[%swap3A_40, %swap3A_41], %convert_element_type3A_22 {strides = array<i32>} : memref<2048x1xi32, #tpu.memory_space<vmem>>, vector<2048x1xi32>,
      %swap3A_43 = arith.constant 0 : index
      %swap3A_44 = arith.constant 0 : index
      %swap3A_45 = vector.load %arg10[%swap3A_43, %swap3A_44] : memref<2048x1xf32, #tpu.memory_space<vmem>>, vector<2048x1xf32>
      tpu.vector_store %arg10[%swap3A_43, %swap3A_44], %broadcast_in_dim3A {strides = array<i32>} : memref<2048x1xf32, #tpu.memory_space<vmem>>, vector<2048x1xf32>,
    } else {
    }
    %gt3A = arith.constant 0 : i32
    %gt3A_27 = arith.cmpi sgt, %arg1, %gt3A : i32
    %convert_element_type3A_28 = arith.extui %gt3A_27 : i1 to i32
    %cond3A_29 = arith.constant 0 : i32
    %cond3A_30 = arith.cmpi ne, %convert_element_type3A_28, %cond3A_29 : i32
    scf.if %cond3A_30 {
      %get3A_36 = arith.constant 0 : index
      %get3A_37 = arith.constant 0 : index
      %get3A_38 = vector.load %arg8[%get3A_36, %get3A_37] : memref<2048x1xf32, #tpu.memory_space<vmem>>, vector<2048x1xf32>
      %lt3A = arith.cmpf olt, %broadcast_in_dim3A, %get3A_38 : vector<2048x1xf32>
      %select_n3A_39 = arith.select %lt3A, %broadcast_in_dim3A, %get3A_38 : vector<2048x1xi1>, vector<2048x1xf32>
      %convert_element_type3A_40 = arith.truncf %select_n3A_39 : vector<2048x1xf32> to vector<2048x1xbf16>
      %convert_element_type3A_41 = arith.extf %convert_element_type3A_40 : vector<2048x1xbf16> to vector<2048x1xf32>
      %swap3A = arith.constant 0 : index
      %swap3A_42 = arith.constant 0 : index
      %swap3A_43 = vector.load %arg8[%swap3A, %swap3A_42] : memref<2048x1xf32, #tpu.memory_space<vmem>>, vector<2048x1xf32>
      tpu.vector_store %arg8[%swap3A, %swap3A_42], %convert_element_type3A_41 {strides = array<i32>} : memref<2048x1xf32, #tpu.memory_space<vmem>>, vector<2048x1xf32>,
      %mul3A = arith.constant 2048 : i32
      %mul3A_44 = arith.muli %arg1, %mul3A : i32
      %add3A_45 = vector.broadcast %mul3A_44 : i32 to vector<2048x1xi32>
      %add3A_46 = arith.addi %convert_element_type3A_22, %add3A_45 : vector<2048x1xi32>
      %get3A_47 = arith.constant 0 : index
      %get3A_48 = arith.constant 0 : index
      %get3A_49 = vector.load %arg9[%get3A_47, %get3A_48] : memref<2048x1xi32, #tpu.memory_space<vmem>>, vector<2048x1xi32>
      %select_n3A_50 = arith.select %lt3A, %add3A_46, %get3A_49 : vector<2048x1xi1>, vector<2048x1xi32>
      %swap3A_51 = arith.constant 0 : index
      %swap3A_52 = arith.constant 0 : index
      %swap3A_53 = vector.load %arg9[%swap3A_51, %swap3A_52] : memref<2048x1xi32, #tpu.memory_space<vmem>>, vector<2048x1xi32>
      tpu.vector_store %arg9[%swap3A_51, %swap3A_52], %select_n3A_50 {strides = array<i32>} : memref<2048x1xi32, #tpu.memory_space<vmem>>, vector<2048x1xi32>,
      %get3A_54 = arith.constant 0 : index
      %get3A_55 = arith.constant 0 : index
      %get3A_56 = vector.load %arg10[%get3A_54, %get3A_55] : memref<2048x1xf32, #tpu.memory_space<vmem>>, vector<2048x1xf32>
      %select_n3A_57 = arith.select %lt3A, %broadcast_in_dim3A, %get3A_56 : vector<2048x1xi1>, vector<2048x1xf32>
      %swap3A_58 = arith.constant 0 : index
      %swap3A_59 = arith.constant 0 : index
      %swap3A_60 = vector.load %arg10[%swap3A_58, %swap3A_59] : memref<2048x1xf32, #tpu.memory_space<vmem>>, vector<2048x1xf32>
      tpu.vector_store %arg10[%swap3A_58, %swap3A_59], %select_n3A_57 {strides = array<i32>} : memref<2048x1xf32, #tpu.memory_space<vmem>>, vector<2048x1xf32>,
    } else {
    }
    %eq3A_31 = arith.constant 3 : i32
    %eq3A_32 = arith.cmpi eq, %arg1, %eq3A_31 : i32
    %convert_element_type3A_33 = arith.extui %eq3A_32 : i1 to i32
    %cond3A_34 = arith.constant 0 : i32
    %cond3A_35 = arith.cmpi ne, %convert_element_type3A_33, %cond3A_34 : i32
    scf.if %cond3A_35 {
      %get3A_36 = arith.constant 0 : index
      %get3A_37 = arith.constant 0 : index
      %get3A_38 = vector.load %arg9[%get3A_36, %get3A_37] : memref<2048x1xi32, #tpu.memory_space<vmem>>, vector<2048x1xi32>
      %reshape3A = vector.shape_cast %get3A_38 : vector<2048x1xi32> to vector<2048xi32>
      %swap3A = arith.constant 0 : index
      %swap3A_39 = vector.load %arg6[%swap3A] : memref<2048xi32, #tpu.memory_space<vmem>>, vector<2048xi32>
      tpu.vector_store %arg6[%swap3A], %reshape3A {strides = array<i32>} : memref<2048xi32, #tpu.memory_space<vmem>>, vector<2048xi32>,
      %get3A_40 = arith.constant 0 : index
      %get3A_41 = arith.constant 0 : index
      %get3A_42 = vector.load %arg10[%get3A_40, %get3A_41] : memref<2048x1xf32, #tpu.memory_space<vmem>>, vector<2048x1xf32>
      %reduce_sum3A = vector.shape_cast %get3A_42 : vector<2048x1xf32> to vector<1x2048x1xf32>
      %reduce_sum3A_43 = arith.constant dense<0.000000e+00> : vector<1xf32>
      %reduce_sum3A_44 = vector.multi_reduction <add>, %reduce_sum3A, %reduce_sum3A_43 [1, 2] : vector<1x2048x1xf32> to vector<1xf32>
      %reduce_sum3A_45 = vector.shape_cast %reduce_sum3A_44 : vector<1xf32> to vector<1x1x1xf32>
      %reduce_sum3A_46 = vector.extract %reduce_sum3A_45[0, 0, 0] : f32 from vector<1x1x1xf32>
      %eq3A_47 = arith.constant 0 : i32
      %eq3A_48 = arith.cmpi eq, %arg0, %eq3A_47 : i32
      %convert_element_type3A_49 = arith.extui %eq3A_48 : i1 to i32
      %cond3A_50 = arith.constant 0 : i32
      %cond3A_51 = arith.cmpi ne, %convert_element_type3A_49, %cond3A_50 : i32
      scf.if %cond3A_51 {
        %swap3A_57 = arith.constant 0 : index
        %swap3A_58 = memref.load %arg7[%swap3A_57] : memref<1xf32, #tpu.memory_space<smem>>
        memref.store %reduce_sum3A_46, %arg7[%swap3A_57] : memref<1xf32, #tpu.memory_space<smem>>
      } else {
      }
      %gt3A_52 = arith.constant 0 : i32
      %gt3A_53 = arith.cmpi sgt, %arg0, %gt3A_52 : i32
      %convert_element_type3A_54 = arith.extui %gt3A_53 : i1 to i32
      %cond3A_55 = arith.constant 0 : i32
      %cond3A_56 = arith.cmpi ne, %convert_element_type3A_54, %cond3A_55 : i32
      scf.if %cond3A_56 {
        %get3A_57 = arith.constant 0 : index
        %get3A_58 = memref.load %arg7[%get3A_57] : memref<1xf32, #tpu.memory_space<smem>>
        %add3A_59 = arith.addf %get3A_58, %reduce_sum3A_46 : f32
        %swap3A_60 = arith.constant 0 : index
        %swap3A_61 = memref.load %arg7[%swap3A_60] : memref<1xf32, #tpu.memory_space<smem>>
        memref.store %add3A_59, %arg7[%swap3A_60] : memref<1xf32, #tpu.memory_space<smem>>
      } else {
      }
    } else {
    }
    return
  }
  func.func @transform_0(%arg0: i32, %arg1: i32) -> (i32, i32) {
    %c0_i32 = arith.constant 0 : i32
    %c0_i32_0 = arith.constant 0 : i32
    return %arg0, %c0_i32 : i32, i32
  }
  func.func @transform_1(%arg0: i32, %arg1: i32) -> (i32, i32) {
    %c0_i32 = arith.constant 0 : i32
    %c0_i32_0 = arith.constant 0 : i32
    return %arg1, %c0_i32 : i32, i32
  }
  func.func @transform_2(%arg0: i32, %arg1: i32) -> (i32, i32) {
    %c0_i32 = arith.constant 0 : i32
    %c0_i32_0 = arith.constant 0 : i32
    return %arg0, %c0_i32 : i32, i32
  }
  func.func @transform_3(%arg0: i32, %arg1: i32) -> (i32, i32) {
    %c0_i32 = arith.constant 0 : i32
    %c0_i32_0 = arith.constant 0 : i32
    return %c0_i32, %arg1 : i32, i32
  }
  func.func @transform_4(%arg0: i32, %arg1: i32) -> i32 {
    %c0_i32 = arith.constant 0 : i32
    return %arg0 : i32
  }
  func.func @transform_5(%arg0: i32, %arg1: i32) -> i32 {
    %c0_i32 = arith.constant 0 : i32
    %c0_i32_0 = arith.constant 0 : i32
    return %c0_i32 : i32
  }
}

</mosaic_0001>

<sc_bundles>
// kernel: kernel.4.cloned.1.call-start
scs
__scs_entry_jumppad:
0x0: {  	(pc) =	sbr.rel $0x88, $3  }
0x1: {  	(tag) =	ssettag $0x0;
	lr =	simm.s32 $0x1  }
0x2: {  	[smem:$0x3F9F] =	sst lr;
	_ =	strace $0xD0000000  }
0x3: {  	_ = 	snop  }
0x4: {  	_ = 	snop  }
0x5: {  	_ = 	snop  }
0x6: {  	_ = 	snop  }
0x7: {  	_ = 	snop  }
__scs_overlays_trampoline_lowered:
0x8: {  	[smem:$0x3FAE] =	sst s0  }
0x9: {  	[smem:$0x3FAF] =	sst s1  }
0xa: {  	[smem:$0x3FB0] =	sst s2  }
0xb: {  	[smem:$0x3FB1] =	sst s3  }
0xc: {  	[smem:$0x3FB2] =	sst s4  }
0xd: {  	[smem:$0x3FB3] =	sst s5  }
0xe: {  	[smem:$0x3FB4] =	sst s6  }
0xf: {  	[smem:$0x3FB5] =	sst s7  }
0x10: {  	[smem:$0x3FB6] =	sst s8  }
0x11: {  	[smem:$0x3FB7] =	sst s9;
	s0 =	simm.s32 @!p0 $0x0  }
0x12: {  	s1 =	sld [smem:$0x3F9D];
	s0 =	simm.s32 @p0 $0x1  }
0x13: {  	[smem:$0x3FB8] =	sst s0;
	s0 =	simm.s32 @!p1 $0x0  }
0x14: {  	s2 =	sld [smem:$0x3F9C];
	s0 =	simm.s32 @p1 $0x1  }
0x15: {  	[smem:$0x3FB9] =	sst s0;
	s0 =	simm.s32 @!p2 $0x0  }
0x16: {  	s3 =	sld [smem:$0x3FDB];
	s0 =	simm.s32 @p2 $0x1  }
0x17: {  	s4 =	simm.s32 $0x1BF5;
	[smem:$0x3FBB] =	sst s0  }
0x18: {  	s0 =	sld [smem:$0x3F9E];
	_ =	swait.ge [sflag:s4], $0x0  }
0x19: {  	s7 =	sld [smem:$0x3F9F]  }
0x1a: {  	s8 =	sadd.s32 $0xFFFFE003, lr  }
0x1b: {  	s9 =	sadd.s32 $0xFFFFFEF7, lr;
	s5 =	simm.s32 $0xFFFFFFFF;
	p2 =	slt.u32 s8, $0xFFFFF086  }
0x1c: {  	p1 =	slt.u32 s9, $0xF7A;
	s5 =	simm.s32 @!p2 $0x0  }
0x1d: {  	s5 =	simm.s32 @p1 $0x1;
	p0 =	seq.s32 s7, s2  }
0x1e: {  	s7 =	smul.u32 @!p0 $0xF7A, s2;
	p2 =	seq.s32 @!p0 s5, $0x0  }
0x1f: {  	s9 =	smul.u32 $0xF7A, s1;
	s8 =	simm.s32 @!p0 $0x1BF5;
	p2 =	por !p2, p0  }
0x20: {  	[sflag:s8] =	ssyncset.s32 @!p0 $0xFFFFF086;
	s6 =	sadd.s32 @!p0 s3, s7;
	s7 =	simm.s32 @!p0 $0x108  }
0x21: {  	s3 =	sadd.s32 s3, s9;
	s6 =	sadd.s32 @!p0 $0x88, s6;
	s7 =	simm.s32 @p2 $0x1082  }
0x22: {  	[simem:s7], [sflag:s8] =	dma.local @!p0 [hbm:s6], $0xF7A  }
0x23: {  	s9 =	sor.u32 $0xD0000000, s2;
	s6 =	simm.s32 $0x108;
	_ =	swait.ge @!p0 [sflag:s8], $0x0  }
0x24: {  	s3 =	sadd.s32 $0x88, s3;
	s6 =	simm.s32 @!p1 $0x1082;
	[sflag:s4] =	ssyncset.s32 $0xFFFFF086  }
0x25: {  	[simem:s6], [sflag:s4] =	dma.local [hbm:s3], $0xF7A  }
0x26: {  	[smem:$0x3F9F] =	sst s1;
	(tag) =	ssettag s2;
	_ =	strace s9  }
0x27: {  	s1 =	sld [smem:$0x3FAF]  }
0x28: {  	s2 =	sld [smem:$0x3FB0]  }
0x29: {  	s4 =	sld [smem:$0x3FB2]  }
0x2a: {  	p0 =	seq.s32 s5, $0x0;
	s5 =	sld [smem:$0x3FB3]  }
0x2b: {  	s6 =	sld [smem:$0x3FB4]  }
0x2c: {  	s7 =	sld [smem:$0x3FB5]  }
0x2d: {  	s3 =	simm.s32 $0x108;
	s8 =	sld [smem:$0x3FB6]  }
0x2e: {  	s3 =	simm.s32 @!p0 $0x1082;
	s9 =	sld [smem:$0x3FB7]  }
0x2f: {  	lr =	sadd.s32 s0, s3;
	s0 =	sld [smem:$0x3FAE]  }
0x30: {  	s3 =	sld [smem:$0x3FB1]  }
0x31: {  	[smem:$0x3FBA] =	sst s10  }
0x32: {  	s10 =	sld [smem:$0x3FB8];
	_ =	sdelay $0x3  }
0x33: {  	p0 =	seq.s32 s10, $0x1;
	s10 =	sld [smem:$0x3FBA];
	_ =	sdelay $0x3  }
0x34: {  	[smem:$0x3FBA] =	sst s10  }
0x35: {  	s10 =	sld [smem:$0x3FB9];
	_ =	sdelay $0x3  }
0x36: {  	p1 =	seq.s32 s10, $0x1;
	s10 =	sld [smem:$0x3FBA];
	_ =	sdelay $0x3  }
0x37: {  	[smem:$0x3FBA] =	sst s10  }
0x38: {  	s10 =	sld [smem:$0x3FBB]  }
0x39: {  	_ = 	snop;
	(pc) =	sbr.ind lr, $3  }
0x3a: {  	_ = 	snop  }
0x3b: {  	_ = 	snop  }
0x3c: {  	p2 =	seq.s32 s10, $0x1;
	s10 =	sld [smem:$0x3FBA]  }
0x3d: {  	_ =	shalt  }
0x3e: {  	_ =	shalt  }
0x3f: {  	_ =	shalt  }
0x40: {  	_ =	shalt  }
0x41: {  	_ =	shalt  }
0x42: {  	_ =	shalt  }
0x43: {  	_ =	shalt  }
0x44: {  	_ =	shalt  }
0x45: {  	_ =	shalt  }
0x46: {  	_ =	shalt  }
0x47: {  	_ =	shalt  }
0x48: {  	_ =	shalt  }
0x49: {  	_ =	shalt  }
0x4a: {  	_ =	shalt  }
0x4b: {  	_ =	shalt  }
0x4c: {  	_ =	shalt  }
0x4d: {  	_ =	shalt  }
0x4e: {  	_ =	shalt  }
0x4f: {  	_ =	shalt  }
0x50: {  	_ =	shalt  }
0x51: {  	_ =	shalt  }
0x52: {  	_ =	shalt  }
0x53: {  	_ =	shalt  }
0x54: {  	_ =	shalt  }
0x55: {  	_ =	shalt  }
0x56: {  	_ =	shalt  }
0x57: {  	_ =	shalt  }
0x58: {  	_ =	shalt  }
0x59: {  	_ =	shalt  }
0x5a: {  	_ =	shalt  }
0x5b: {  	_ =	shalt  }
0x5c: {  	_ =	shalt  }
0x5d: {  	_ =	shalt  }
0x5e: {  	_ =	shalt  }
0x5f: {  	_ =	shalt  }
0x60: {  	_ =	shalt  }
0x61: {  	_ =	shalt  }
0x62: {  	_ =	shalt  }
0x63: {  	_ =	shalt  }
0x64: {  	_ =	shalt  }
0x65: {  	_ =	shalt  }
0x66: {  	_ =	shalt  }
0x67: {  	_ =	shalt  }
0x68: {  	_ =	shalt  }
0x69: {  	_ =	shalt  }
0x6a: {  	_ =	shalt  }
0x6b: {  	_ =	shalt  }
0x6c: {  	_ =	shalt  }
0x6d: {  	_ =	shalt  }
0x6e: {  	_ =	shalt  }
0x6f: {  	_ =	shalt  }
0x70: {  	_ =	shalt  }
0x71: {  	_ =	shalt  }
0x72: {  	_ =	shalt  }
0x73: {  	_ =	shalt  }
0x74: {  	_ =	shalt  }
0x75: {  	_ =	shalt  }
0x76: {  	_ =	shalt  }
0x77: {  	_ =	shalt  }
0x78: {  	_ =	shalt  }
0x79: {  	_ =	shalt  }
0x7a: {  	_ =	shalt  }
0x7b: {  	_ =	shalt  }
0x7c: {  	_ =	shalt  }
0x7d: {  	_ =	shalt  }
0x7e: {  	_ =	shalt  }
0x7f: {  	_ =	shalt  }
0x80: {  	_ =	shalt  }
0x81: {  	_ =	shalt  }
0x82: {  	_ =	shalt  }
0x83: {  	_ =	shalt  }
0x84: {  	_ =	shalt  }
0x85: {  	_ =	shalt  }
0x86: {  	_ =	shalt  }
0x87: {  	_ =	shalt  }
.Lfunc_end0:
.L_simem_size_0:
called_computation_lowered:
.L_overlay_start_0:
0x88: {  	s2 =	sld [smem:$0x3FD9]  }
0x89: {  	s3 =	sld [smem:$0x3FFE];
	_ =	sdelay $0x1  }
0x8a: {  	s1 =	srdreg.scid  }
0x8b: {  	s0 =	sand.u32 $0x1, s1  }
0x8c: {  	s14 =	sshll.u32 s0, $0xA;
	s2 =	sadd.s32 s3, s2  }
0x8d: {  	s2 =	sadd.s32 s2, s14  }
0x8e: {  	[smem:$0x3FC6] =	sst s2  }
0x8f: {  	_ = 	snop  }
0x90: {  	s2 =	sld [smem:$0x3FD0];
	_ =	sdelay $0x2  }
0x91: {  	s15 =	simm.s32 $0xA;
	s4 =	simm.s32 $0x10  }
0x92: {  	[smem:s4], [sflag:s15] =	dma.local [hbm:s2], $0x1  }
0x93: {  	_ =	swait.eq [sflag:s15], $0x1  }
0x94: {  	[sflag:s15] =	ssyncset.done $0x0  }
0x95: {  	[sflag:s15] =	ssyncadd.s32 $0xFFFFFFFF  }
0x96: {  	s16 =	sld [smem:$0x11];
	(tm) =	ssettm $0x1  }
0x97: {  	s17 =	sld [smem:$0x3FFB];
	_ =	sdelay $0x3  }
0x98: {  	_ =	strace s17  }
0x99: {  	s3 =	sld [smem:$0x3FFC];
	_ =	sdelay $0x3  }
0x9a: {  	_ =	strace s3  }
0x9b: {  	s3 =	sld [smem:$0x3FFD];
	_ =	sdelay $0x3  }
0x9c: {  	_ =	strace s3  }
0x9d: {  	_ =	strace $0x8FFFFFFF  }
0x9e: {  	s18 =	sld [smem:$0x3FDB];
	_ =	sdelay $0x1  }
0x9f: {  	s19 =	simm.s32 $_scs_section_size  }
0xa0: {  	s5 =	simm.s32 $_size__tile_overlayer_lowered;
	s6 =	simm.s32 $_tile_overlayer_lowered  }
0xa1: {  	s22 =	simm.s32 $0x1BFF;
	s21 =	sshll.u32 s6, $0x1;
	s3 =	sadd.s32 s19, s18  }
0xa2: {  	s7 =	simm.s32 $0x0;
	s20 =	sshll.u32 s5, $0x1;
	s5 =	sadd.s32 s21, s3  }
0xa3: {  	[timem:s7], [sflag:s22] =	dma.local [hbm:s5], s20  }
0xa4: {  	_ =	swait.ge [sflag:s22], s20  }
0xa5: {  	s4 =	ssub.s32 $0x0, s20;
	[sflag:s22] =	ssyncset.done $0x0  }
0xa6: {  	[sflag:s22] =	ssyncadd.s32 s4;
	_ =	sdelay $0x1  }
0xa7: {  	s23 =	simm.s32 $0x1B8B  }
0xa8: {  	_ =	swait.ge [sflag:s23], $0x1  }
0xa9: {  	[sflag:s23] =	ssyncset.done $0x0  }
0xaa: {  	s25 =	simm.s32 $0x1B8E;
	s24 =	sld [smem:$0x3FFE];
	[sflag:s23] =	ssyncadd.s32 $0xFFFFFFFF  }
0xab: {  	s26 =	simm.s32 $execute0_lowered;
	[smem:$0x3FD2] =	sst s25  }
0xac: {  	s5 =	sshll.u32 s26, $0x1;
	_ =	strace $0x80000046;
	[dreg:$0x1] =	wrdreg $0xFFFFFFFF  }
0xad: {  	s28 =	simm.s32 $_size_execute0_lowered;
	s3 =	sadd.s32 s3, s5;
	[dreg:$0x0] =	wrdreg $0x0  }
0xae: {  	s5 =	sshll.u32 s28, $0x1;
	[dreg:$0x2] =	wrdreg s3  }
0xaf: {  	[dreg:$0x3] =	wrdreg s5  }
0xb0: {  	[dreg:$0x4] =	wrdreg $0xC0  }
0xb1: {  	_ =	task [dreg:s7], $0x5FFFF  }
0xb2: {  	[dreg:$0x1] =	wrdreg $0xFFFFFFFF  }
0xb3: {  	[dreg:$0x0] =	wrdreg $0x60  }
0xb4: {  	[dreg:$0x2] =	wrdreg s16  }
0xb5: {  	[dreg:$0x3] =	wrdreg s24  }
0xb6: {  	[dreg:$0x4] =	wrdreg $0x9  }
0xb7: {  	_ =	task.clear_ibuf [dreg:s7], $0x5FFFF;
	_ =	strace $0x90000046  }
0xb8: {  	s29 =	simm.s32 $0x9;
	_ =	strace $0x80000048  }
0xb9: {  	_ =	swait.ge [sflag:s29], $0x1  }
0xba: {  	[sflag:s29] =	ssyncadd.s32 $0xFFFFFFFF  }
0xbb: {  	_ =	strace $0x90000048  }
0xbc: {  	_ =	sfence  }
0xbd: {  	s30 =	sld [smem:$0x0];
	_ =	sdelay $0x2  }
0xbe: {  	s31 =	sshll.u32 s1, $0xD;
	s1 =	sshrl.u32 s1, $0x2  }
0xbf: {  	s3 =	sand.u32 $0x4000, s31;
	s1 =	sadd.s32 s1, s30  }
0xc0: {  	s0 =	sor.u32 s3, s0;
	s1 =	sshll.u32 s1, $0x11  }
0xc1: {  	s0 =	sor.u32 s1, s0  }
0xc2: {  	s0 =	sadd.s32 $0x8F2B, s0  }
0xc3: {  	[sflag:s0] =	ssyncadd.remote.s32 $0x1  }
0xc4: {  	_ =	sfence.sel $0xFFFF  }
0xc5: {  	[dreg:$0x0] =	wrdreg $0xFFFFFFFF;
	(pc) =	sbr.abs _section_cstart, $3  }
0xc6: {  	[dreg:$0x1] =	wrdreg $0xFFFFFFFF  }
0xc7: {  	_ =	task.clear_ibuf [dreg:s7], $0x2FFFF;
	_ =	strace $0x9FFFFFFF  }
0xc8: {  	(tm) =	ssettm $0x7FFFFFFF  }
0xc9: {  	_ =	shalt  }
tec
execute0_lowered:
.L_overlay_start_1:
0x0: {  	(tag) =	ssettag $0x1  }
0x1: {  	s1 =	rddreg [dreg:$0x0]  }
0x2: {  	s4 =	rddreg [dreg:$0x1]  }
0x3: {  	s0 =	rddreg [dreg:$0x2]  }
0x4: {  	s3 =	simm.s32 $0x0;
	s5 =	srdreg.scid;
	s2 =	stileid.u32  }
0x5: {  	s11 =	simm.s32 $0x880;
	s12 =	simm.s32 $0x1080;
	s13 =	simm.s32 $0x1880  }
0x6: {  	s14 =	simm.s32 $0x2080;
	s15 =	simm.s32 $0x2880;
	s16 =	simm.s32 $0x3080  }
0x7: {  	s17 =	simm.s32 $0x3880;
	s18 =	simm.s32 $0x4080;
	s19 =	simm.s32 $0x4880  }
0x8: {  	s20 =	simm.s32 $0x5080;
	s21 =	simm.s32 $0x5880;
	s22 =	simm.s32 $0x6080  }
0x9: {  	s23 =	simm.s32 $0x6880;
	s24 =	simm.s32 $0x7080;
	s25 =	simm.s32 $0x7880  }
0xa: {  	s26 =	simm.s32 $0x1;
	[smem:$0x7FF] =	sst s3;
	s5 =	sand.u32 $0x1, s5  }
0xb: {  	s7 =	sshll.u32 s2, $0x9;
	s8 =	sadd.s32 $0xA00, s4;
	s6 =	ssub.s32 $0x2, s5  }
0xc: {  	s28 =	sadd.s32 $0xE00, s4;
	s5 =	sshll.u32 s5, $0x8;
	s9 =	sshrl.u32 s6, $0x1  }
0xd: {  	_ =	strace $0x80000047;
	s5 =	sor.u32 s5, s7;
	s9 =	ssub.s32 s6, s9  }
0xe: {  	s29 =	sshrl.u32 s5, $0x3;
	s30 =	sshll.u32 s5, $0x5;
	s10 =	sor.u32 $0x80, s5  }
0xf: {  	v2 =	vlaneseq.u32;
	s4 =	sadd.s32 s8, s29;
	s31 =	sshrl.u32 s10, $0x3;
	s10 =	sshll.u32 s10, $0x5  }
0x10: {  	vm0 =	vmmov $0xffff;
	v1 =	vshrl.u32 v2, $0x3;
	s5 =	sadd.s32 s28, s30;
	s6 =	sadd.s32 s8, s31;
	s7 =	sadd.s32 s28, s10  }
0x11: {  	v0 =	vand.u32 $0x7, v2;
	v2 =	vor.u32 $0x8, v2;
	v1 =	vmul.u32 $0x8, v1;
	s8 =	smax.u32 s9, $0x1;
	s9 =	simm.s32 $0x2;
	s10 =	simm.s32 $0x80  }
.LBB2_1:
0x12: {  	[tilespmem:s3], [sflag:$0x2] =	stream.linear.gather [hbm4b:s4+s3], $0x80, $0x38;
	[tilespmem:$0x8080] =	vst v63  }
0x13: {  	_ =	swait.ge [sflag:s9], $0x80  }
0x14: {  	[sflag:s9] =	ssyncset.done $0x0  }
0x15: {  	[sflag:s9] =	ssyncadd.s32 $0xFFFFFF80  }
0x16: {  	v3 =	vld [tilespmem:$0x0];
	_ =	sdelay $0x4  }
0x17: {  	v4 =	vshll.u32 v3, $0x1  }
0x18: {  	v3 =	vand.u32 $0x7, v3;
	v4 =	vand.u32 $0xFFFFFFF0, v4  }
0x19: {  	v3 =	vor.u32 v3, v4  }
0x1a: {  	v4 =	vperm.xlane v3, v0;
	_ =	sdelay $0x1  }
0x1b: {  	v3 =	vperm.xlane v3, v2;
	v4 =	vadd.s32 v1, v4;
	_ =	sdelay $0x1  }
0x1c: {  	v3 =	vadd.s32 v1, v3;
	_ =	sdelay $0x2  }
0x1d: {  	[tilespmem:s10], [sflag:$0x1] =	stream.indirect_vreg.gather [hbm4b:s1+s3], $0x80, v4, vm0, $0xb8;
	[tilespmem:$0x8080] =	vst v63  }
0x1e: {  	_ = 	snop  }
0x1f: {  	[tilespmem:s11], [sflag:$0x1] =	stream.indirect_vreg.gather [hbm4b:s1+s3], $0x80, v3, vm0, $0xb8;
	[tilespmem:$0x8080] =	vst v63  }
0x20: {  	v3 =	vld [tilespmem:$0x10];
	_ =	sdelay $0x4  }
0x21: {  	v49 =	vshll.u32 v3, $0x1  }
0x22: {  	v3 =	vand.u32 $0x7, v3;
	v4 =	vand.u32 $0xFFFFFFF0, v49  }
0x23: {  	v3 =	vor.u32 v3, v4  }
0x24: {  	v4 =	vperm.xlane v3, v0;
	_ =	sdelay $0x1  }
0x25: {  	v3 =	vperm.xlane v3, v2;
	v4 =	vadd.s32 v1, v4;
	_ =	sdelay $0x1  }
0x26: {  	v3 =	vadd.s32 v1, v3;
	_ =	sdelay $0x2  }
0x27: {  	[tilespmem:s12], [sflag:$0x1] =	stream.indirect_vreg.gather [hbm4b:s1+s3], $0x80, v4, vm0, $0xb8;
	[tilespmem:$0x8080] =	vst v63  }
0x28: {  	_ = 	snop  }
0x29: {  	[tilespmem:s13], [sflag:$0x1] =	stream.indirect_vreg.gather [hbm4b:s1+s3], $0x80, v3, vm0, $0xb8;
	[tilespmem:$0x8080] =	vst v63  }
0x2a: {  	v3 =	vld [tilespmem:$0x20];
	_ =	sdelay $0x4  }
0x2b: {  	v50 =	vshll.u32 v3, $0x1  }
0x2c: {  	v3 =	vand.u32 $0x7, v3;
	v4 =	vand.u32 $0xFFFFFFF0, v50  }
0x2d: {  	v3 =	vor.u32 v3, v4  }
0x2e: {  	v4 =	vperm.xlane v3, v0;
	_ =	sdelay $0x1  }
0x2f: {  	v3 =	vperm.xlane v3, v2;
	v4 =	vadd.s32 v1, v4;
	_ =	sdelay $0x1  }
0x30: {  	v3 =	vadd.s32 v1, v3;
	_ =	sdelay $0x2  }
0x31: {  	[tilespmem:s14], [sflag:$0x1] =	stream.indirect_vreg.gather [hbm4b:s1+s3], $0x80, v4, vm0, $0xb8;
	[tilespmem:$0x8080] =	vst v63  }
0x32: {  	_ = 	snop  }
0x33: {  	[tilespmem:s15], [sflag:$0x1] =	stream.indirect_vreg.gather [hbm4b:s1+s3], $0x80, v3, vm0, $0xb8;
	[tilespmem:$0x8080] =	vst v63  }
0x34: {  	v3 =	vld [tilespmem:$0x30];
	_ =	sdelay $0x4  }
0x35: {  	v51 =	vshll.u32 v3, $0x1  }
0x36: {  	v3 =	vand.u32 $0x7, v3;
	v4 =	vand.u32 $0xFFFFFFF0, v51  }
0x37: {  	v3 =	vor.u32 v3, v4  }
0x38: {  	v4 =	vperm.xlane v3, v0;
	_ =	sdelay $0x1  }
0x39: {  	v3 =	vperm.xlane v3, v2;
	v4 =	vadd.s32 v1, v4;
	_ =	sdelay $0x1  }
0x3a: {  	v3 =	vadd.s32 v1, v3;
	_ =	sdelay $0x2  }
0x3b: {  	[tilespmem:s16], [sflag:$0x1] =	stream.indirect_vreg.gather [hbm4b:s1+s3], $0x80, v4, vm0, $0xb8;
	[tilespmem:$0x8080] =	vst v63  }
0x3c: {  	_ = 	snop  }
0x3d: {  	[tilespmem:s17], [sflag:$0x1] =	stream.indirect_vreg.gather [hbm4b:s1+s3], $0x80, v3, vm0, $0xb8;
	[tilespmem:$0x8080] =	vst v63  }
0x3e: {  	v3 =	vld [tilespmem:$0x40];
	_ =	sdelay $0x4  }
0x3f: {  	v52 =	vshll.u32 v3, $0x1  }
0x40: {  	v3 =	vand.u32 $0x7, v3;
	v4 =	vand.u32 $0xFFFFFFF0, v52  }
0x41: {  	v3 =	vor.u32 v3, v4  }
0x42: {  	v4 =	vperm.xlane v3, v0;
	_ =	sdelay $0x1  }
0x43: {  	v3 =	vperm.xlane v3, v2;
	v4 =	vadd.s32 v1, v4;
	_ =	sdelay $0x1  }
0x44: {  	v3 =	vadd.s32 v1, v3;
	_ =	sdelay $0x2  }
0x45: {  	[tilespmem:s18], [sflag:$0x1] =	stream.indirect_vreg.gather [hbm4b:s1+s3], $0x80, v4, vm0, $0xb8;
	[tilespmem:$0x8080] =	vst v63  }
0x46: {  	_ = 	snop  }
0x47: {  	[tilespmem:s19], [sflag:$0x1] =	stream.indirect_vreg.gather [hbm4b:s1+s3], $0x80, v3, vm0, $0xb8;
	[tilespmem:$0x8080] =	vst v63  }
0x48: {  	v3 =	vld [tilespmem:$0x50];
	_ =	sdelay $0x4  }
0x49: {  	v53 =	vshll.u32 v3, $0x1  }
0x4a: {  	v3 =	vand.u32 $0x7, v3;
	v4 =	vand.u32 $0xFFFFFFF0, v53  }
0x4b: {  	v3 =	vor.u32 v3, v4  }
0x4c: {  	v4 =	vperm.xlane v3, v0;
	_ =	sdelay $0x1  }
0x4d: {  	v3 =	vperm.xlane v3, v2;
	v4 =	vadd.s32 v1, v4;
	_ =	sdelay $0x1  }
0x4e: {  	v3 =	vadd.s32 v1, v3;
	_ =	sdelay $0x2  }
0x4f: {  	[tilespmem:s20], [sflag:$0x1] =	stream.indirect_vreg.gather [hbm4b:s1+s3], $0x80, v4, vm0, $0xb8;
	[tilespmem:$0x8080] =	vst v63  }
0x50: {  	_ = 	snop  }
0x51: {  	[tilespmem:s21], [sflag:$0x1] =	stream.indirect_vreg.gather [hbm4b:s1+s3], $0x80, v3, vm0, $0xb8;
	[tilespmem:$0x8080] =	vst v63  }
0x52: {  	v3 =	vld [tilespmem:$0x60];
	_ =	sdelay $0x4  }
0x53: {  	v54 =	vshll.u32 v3, $0x1  }
0x54: {  	v3 =	vand.u32 $0x7, v3;
	v4 =	vand.u32 $0xFFFFFFF0, v54  }
0x55: {  	v3 =	vor.u32 v3, v4  }
0x56: {  	v4 =	vperm.xlane v3, v0;
	_ =	sdelay $0x1  }
0x57: {  	v3 =	vperm.xlane v3, v2;
	v4 =	vadd.s32 v1, v4;
	_ =	sdelay $0x1  }
0x58: {  	v3 =	vadd.s32 v1, v3;
	_ =	sdelay $0x2  }
0x59: {  	[tilespmem:s22], [sflag:$0x1] =	stream.indirect_vreg.gather [hbm4b:s1+s3], $0x80, v4, vm0, $0xb8;
	[tilespmem:$0x8080] =	vst v63  }
0x5a: {  	_ = 	snop  }
0x5b: {  	[tilespmem:s23], [sflag:$0x1] =	stream.indirect_vreg.gather [hbm4b:s1+s3], $0x80, v3, vm0, $0xb8;
	[tilespmem:$0x8080] =	vst v63  }
0x5c: {  	v3 =	vld [tilespmem:$0x70];
	_ =	sdelay $0x4  }
0x5d: {  	v55 =	vshll.u32 v3, $0x1  }
0x5e: {  	v3 =	vand.u32 $0x7, v3;
	v4 =	vand.u32 $0xFFFFFFF0, v55  }
0x5f: {  	v3 =	vor.u32 v3, v4  }
0x60: {  	v4 =	vperm.xlane v3, v0;
	_ =	sdelay $0x1  }
0x61: {  	v3 =	vperm.xlane v3, v2;
	v4 =	vadd.s32 v1, v4;
	_ =	sdelay $0x1  }
0x62: {  	v3 =	vadd.s32 v1, v3;
	_ =	sdelay $0x2  }
0x63: {  	[tilespmem:s24], [sflag:$0x1] =	stream.indirect_vreg.gather [hbm4b:s1+s3], $0x80, v4, vm0, $0xb8;
	[tilespmem:$0x8080] =	vst v63  }
0x64: {  	_ = 	snop  }
0x65: {  	[tilespmem:s25], [sflag:$0x1] =	stream.indirect_vreg.gather [hbm4b:s1+s3], $0x80, v3, vm0, $0xb8;
	[tilespmem:$0x8080] =	vst v63  }
0x66: {  	_ =	swait.ge [sflag:s26], $0x8000  }
0x67: {  	[sflag:s26] =	ssyncset.done $0x0  }
0x68: {  	[sflag:s26] =	ssyncadd.s32 $0xFFFF8000  }
0x69: {  	[hbm4b:s5+s3] =	stream.linear.scatter [tilespmem:s10], [sflag:$0x2], $0x8000, $0x38;
	[tilespmem:$0x8080] =	vst v63  }
0x6a: {  	_ =	swait.ge [sflag:s9], $0x8000  }
0x6b: {  	[sflag:s9] =	ssyncset.done $0x0  }
0x6c: {  	[sflag:s9] =	ssyncadd.s32 $0xFFFF8000  }
0x6d: {  	[tilespmem:s3], [sflag:$0x2] =	stream.linear.gather [hbm4b:s6+s3], $0x80, $0x38;
	[tilespmem:$0x8080] =	vst v63  }
0x6e: {  	_ =	swait.ge [sflag:s9], $0x80  }
0x6f: {  	[sflag:s9] =	ssyncset.done $0x0  }
0x70: {  	[sflag:s9] =	ssyncadd.s32 $0xFFFFFF80  }
0x71: {  	v3 =	vld [tilespmem:$0x0];
	_ =	sdelay $0x4  }
0x72: {  	v56 =	vshll.u32 v3, $0x1  }
0x73: {  	v3 =	vand.u32 $0x7, v3;
	v4 =	vand.u32 $0xFFFFFFF0, v56  }
0x74: {  	v3 =	vor.u32 v3, v4  }
0x75: {  	v4 =	vperm.xlane v3, v0;
	_ =	sdelay $0x1  }
0x76: {  	v3 =	vperm.xlane v3, v2;
	v4 =	vadd.s32 v1, v4;
	_ =	sdelay $0x1  }
0x77: {  	v3 =	vadd.s32 v1, v3;
	_ =	sdelay $0x2  }
0x78: {  	[tilespmem:s10], [sflag:$0x1] =	stream.indirect_vreg.gather [hbm4b:s1+s3], $0x80, v4, vm0, $0xb8;
	[tilespmem:$0x8080] =	vst v63  }
0x79: {  	_ = 	snop  }
0x7a: {  	[tilespmem:s11], [sflag:$0x1] =	stream.indirect_vreg.gather [hbm4b:s1+s3], $0x80, v3, vm0, $0xb8;
	[tilespmem:$0x8080] =	vst v63  }
0x7b: {  	v3 =	vld [tilespmem:$0x10];
	_ =	sdelay $0x4  }
0x7c: {  	v57 =	vshll.u32 v3, $0x1  }
0x7d: {  	v3 =	vand.u32 $0x7, v3;
	v4 =	vand.u32 $0xFFFFFFF0, v57  }
0x7e: {  	v3 =	vor.u32 v3, v4  }
0x7f: {  	v4 =	vperm.xlane v3, v0;
	_ =	sdelay $0x1  }
0x80: {  	v3 =	vperm.xlane v3, v2;
	v4 =	vadd.s32 v1, v4;
	_ =	sdelay $0x1  }
0x81: {  	v3 =	vadd.s32 v1, v3;
	_ =	sdelay $0x2  }
0x82: {  	[tilespmem:s12], [sflag:$0x1] =	stream.indirect_vreg.gather [hbm4b:s1+s3], $0x80, v4, vm0, $0xb8;
	[tilespmem:$0x8080] =	vst v63  }
0x83: {  	_ = 	snop  }
0x84: {  	[tilespmem:s13], [sflag:$0x1] =	stream.indirect_vreg.gather [hbm4b:s1+s3], $0x80, v3, vm0, $0xb8;
	[tilespmem:$0x8080] =	vst v63  }
0x85: {  	v3 =	vld [tilespmem:$0x20];
	_ =	sdelay $0x4  }
0x86: {  	v58 =	vshll.u32 v3, $0x1  }
0x87: {  	v3 =	vand.u32 $0x7, v3;
	v4 =	vand.u32 $0xFFFFFFF0, v58  }
0x88: {  	v3 =	vor.u32 v3, v4  }
0x89: {  	v4 =	vperm.xlane v3, v0;
	_ =	sdelay $0x1  }
0x8a: {  	v3 =	vperm.xlane v3, v2;
	v4 =	vadd.s32 v1, v4;
	_ =	sdelay $0x1  }
0x8b: {  	v3 =	vadd.s32 v1, v3;
	_ =	sdelay $0x2  }
0x8c: {  	[tilespmem:s14], [sflag:$0x1] =	stream.indirect_vreg.gather [hbm4b:s1+s3], $0x80, v4, vm0, $0xb8;
	[tilespmem:$0x8080] =	vst v63  }
0x8d: {  	_ = 	snop  }
0x8e: {  	[tilespmem:s15], [sflag:$0x1] =	stream.indirect_vreg.gather [hbm4b:s1+s3], $0x80, v3, vm0, $0xb8;
	[tilespmem:$0x8080] =	vst v63  }
0x8f: {  	v3 =	vld [tilespmem:$0x30];
	_ =	sdelay $0x4  }
0x90: {  	v59 =	vshll.u32 v3, $0x1  }
0x91: {  	v3 =	vand.u32 $0x7, v3;
	v4 =	vand.u32 $0xFFFFFFF0, v59  }
0x92: {  	v3 =	vor.u32 v3, v4  }
0x93: {  	v4 =	vperm.xlane v3, v0;
	_ =	sdelay $0x1  }
0x94: {  	v3 =	vperm.xlane v3, v2;
	v4 =	vadd.s32 v1, v4;
	_ =	sdelay $0x1  }
0x95: {  	v3 =	vadd.s32 v1, v3;
	_ =	sdelay $0x2  }
0x96: {  	[tilespmem:s16], [sflag:$0x1] =	stream.indirect_vreg.gather [hbm4b:s1+s3], $0x80, v4, vm0, $0xb8;
	[tilespmem:$0x8080] =	vst v63  }
0x97: {  	_ = 	snop  }
0x98: {  	[tilespmem:s17], [sflag:$0x1] =	stream.indirect_vreg.gather [hbm4b:s1+s3], $0x80, v3, vm0, $0xb8;
	[tilespmem:$0x8080] =	vst v63  }
0x99: {  	v3 =	vld [tilespmem:$0x40];
	_ =	sdelay $0x4  }
0x9a: {  	v60 =	vshll.u32 v3, $0x1  }
0x9b: {  	v3 =	vand.u32 $0x7, v3;
	v4 =	vand.u32 $0xFFFFFFF0, v60  }
0x9c: {  	v3 =	vor.u32 v3, v4  }
0x9d: {  	v4 =	vperm.xlane v3, v0;
	_ =	sdelay $0x1  }
0x9e: {  	v3 =	vperm.xlane v3, v2;
	v4 =	vadd.s32 v1, v4;
	_ =	sdelay $0x1  }
0x9f: {  	v3 =	vadd.s32 v1, v3;
	_ =	sdelay $0x2  }
0xa0: {  	[tilespmem:s18], [sflag:$0x1] =	stream.indirect_vreg.gather [hbm4b:s1+s3], $0x80, v4, vm0, $0xb8;
	[tilespmem:$0x8080] =	vst v63  }
0xa1: {  	_ = 	snop  }
0xa2: {  	[tilespmem:s19], [sflag:$0x1] =	stream.indirect_vreg.gather [hbm4b:s1+s3], $0x80, v3, vm0, $0xb8;
	[tilespmem:$0x8080] =	vst v63  }
0xa3: {  	v3 =	vld [tilespmem:$0x50];
	_ =	sdelay $0x4  }
0xa4: {  	v61 =	vshll.u32 v3, $0x1  }
0xa5: {  	v3 =	vand.u32 $0x7, v3;
	v4 =	vand.u32 $0xFFFFFFF0, v61  }
0xa6: {  	v3 =	vor.u32 v3, v4  }
0xa7: {  	v4 =	vperm.xlane v3, v0;
	_ =	sdelay $0x1  }
0xa8: {  	v3 =	vperm.xlane v3, v2;
	v4 =	vadd.s32 v1, v4;
	_ =	sdelay $0x1  }
0xa9: {  	v3 =	vadd.s32 v1, v3;
	_ =	sdelay $0x2  }
0xaa: {  	[tilespmem:s20], [sflag:$0x1] =	stream.indirect_vreg.gather [hbm4b:s1+s3], $0x80, v4, vm0, $0xb8;
	[tilespmem:$0x8080] =	vst v63  }
0xab: {  	_ = 	snop  }
0xac: {  	[tilespmem:s21], [sflag:$0x1] =	stream.indirect_vreg.gather [hbm4b:s1+s3], $0x80, v3, vm0, $0xb8;
	[tilespmem:$0x8080] =	vst v63  }
0xad: {  	v3 =	vld [tilespmem:$0x60];
	_ =	sdelay $0x4  }
0xae: {  	v62 =	vshll.u32 v3, $0x1  }
0xaf: {  	v3 =	vand.u32 $0x7, v3;
	v4 =	vand.u32 $0xFFFFFFF0, v62  }
0xb0: {  	v3 =	vor.u32 v3, v4  }
0xb1: {  	v4 =	vperm.xlane v3, v0;
	_ =	sdelay $0x1  }
0xb2: {  	v3 =	vperm.xlane v3, v2;
	v4 =	vadd.s32 v1, v4;
	_ =	sdelay $0x1  }
0xb3: {  	v3 =	vadd.s32 v1, v3;
	_ =	sdelay $0x2  }
0xb4: {  	[tilespmem:s22], [sflag:$0x1] =	stream.indirect_vreg.gather [hbm4b:s1+s3], $0x80, v4, vm0, $0xb8;
	[tilespmem:$0x8080] =	vst v63  }
0xb5: {  	_ = 	snop  }
0xb6: {  	[tilespmem:s23], [sflag:$0x1] =	stream.indirect_vreg.gather [hbm4b:s1+s3], $0x80, v3, vm0, $0xb8;
	[tilespmem:$0x8080] =	vst v63  }
0xb7: {  	v3 =	vld [tilespmem:$0x70];
	_ =	sdelay $0x4  }
0xb8: {  	v63 =	vshll.u32 v3, $0x1  }
0xb9: {  	v3 =	vand.u32 $0x7, v3;
	v4 =	vand.u32 $0xFFFFFFF0, v63  }
0xba: {  	v3 =	vor.u32 v3, v4  }
0xbb: {  	v4 =	vperm.xlane v3, v0;
	_ =	sdelay $0x1  }
0xbc: {  	v3 =	vperm.xlane v3, v2;
	v4 =	vadd.s32 v1, v4;
	_ =	sdelay $0x1  }
0xbd: {  	v3 =	vadd.s32 v1, v3;
	_ =	sdelay $0x2  }
0xbe: {  	[tilespmem:s24], [sflag:$0x1] =	stream.indirect_vreg.gather [hbm4b:s1+s3], $0x80, v4, vm0, $0xb8;
	[tilespmem:$0x8080] =	vst v63  }
0xbf: {  	_ = 	snop  }
0xc0: {  	[tilespmem:s25], [sflag:$0x1] =	stream.indirect_vreg.gather [hbm4b:s1+s3], $0x80, v3, vm0, $0xb8;
	[tilespmem:$0x8080] =	vst v63  }
0xc1: {  	_ =	swait.ge [sflag:s26], $0x8000  }
0xc2: {  	p0 =	sne.s32 s8, $0x1;
	[sflag:s26] =	ssyncset.done $0x0  }
.Ltmp0:
0xc3: {  	[sflag:s26] =	ssyncadd.s32 $0xFFFF8000;
	(pc) =	sbr.rel @p0 .LBB2_1-.Ltmp0, $4  }
0xc4: {  	[hbm4b:s7+s3] =	stream.linear.scatter [tilespmem:s10], [sflag:$0x2], $0x8000, $0x38;
	[tilespmem:$0x8080] =	vst v63  }
0xc5: {  	_ =	swait.ge [sflag:s9], $0x8000  }
0xc6: {  	[sflag:s9] =	ssyncset.done $0x0  }
0xc7: {  	s8 =	sadd.s32 $0xFFFFFFFF, s8;
	[sflag:s9] =	ssyncadd.s32 $0xFFFF8000  }
0xc8: {  	_ =	sfence.sel $0x180000  }
0xc9: {  	[bflag:$0x0] =	sbarrier.arrive $0xFFFF  }
0xca: {  	p0 =	sne.s32 s2, $0x0;
	_ =	strace $0x90000047  }
0xcb: {  	s0 =	sadd.s32 @!p0 $0x100000, s0;
	[bflag:$0x2] =	sbarrier.arrive $0xFFFF  }
0xcc: {  	[sflag:s0] =	ssyncadd.tile.s32 @!p0 $0x1;
	_ =	shalt  }
.Lfunc_end2:
_tile_overlayer_lowered:
.L_overlay_start_2:
0xcd: {  	(tag) =	ssettag $0x2  }
0xce: {  	s0 =	rddreg [dreg:$0x0];
	s2 =	stileid.u32  }
0xcf: {  	s1 =	rddreg [dreg:$0x1];
	p0 =	sne.s32 s2, $0x0  }
0xd0: {  	s3 =	rddreg [dreg:$0x2];
	[bflag:$0x3] =	sbarrier.arrive $0xFFFF;
	s2 =	simm.s32 @!p0 $0x1C02  }
0xd1: {  	[timem:s3], [sflag:s2] =	dma.local @!p0 [hbm:s0], s1  }
0xd2: {  	s0 =	simm.s32 @!p0 $0x2  }
0xd3: {  	_ =	swait.ge @!p0 [sflag:s0], s1  }
0xd4: {  	s1 =	ssub.s32 @!p0 $0x0, s1;
	[sflag:s0] =	ssyncset.done @!p0 $0x0  }
0xd5: {  	[sflag:s0] =	ssyncadd.s32 @!p0 s1  }
0xd6: {  	[bflag:$0x3] =	sbarrier.arrive $0xFFFF  }
0xd7: {  	_ =	shalt  }

</sc_bundles>
